<compile_context>
chip_gen: v7x
topology: tpu7x:2x2x1
jax: 0.10.2.dev20260603
libtpu: 0.0.44.dev20260713+nightly
codegen_flags: <defaults>
</compile_context>

<pallas_src>
import jax
import jax.numpy as jnp
from jax import lax
from jax.experimental import pallas as pl
from jax.experimental.pallas import tpu as pltpu
from jax.experimental.pallas import tpu_sc as plsc

ALPHA = 0.5
POS_WEIGHT = 3.0
WEIGHT_DISTANCE = 0.15

NC = 2
NS = 16
L = 16

N_EDGES = 320000
C2 = N_EDGES // (NS * NC)


def _log1p_poly_z(z):
    z2 = z * z
    return 2.0 * z * (1.0 + z2 * (1.0 / 3.0 + z2 * (1.0 / 5.0 + z2 * (1.0 / 7.0))))


def _sc_bce_body(l_hbm, y_hbm, p_hbm, out_hbm,
                 l_v, y_v, p_v, st_v, sem_l, sem_y):
    core = lax.axis_index("c")
    sid = lax.axis_index("s")
    wid = sid * NC + core

    base = wid * C2
    cp_l = pltpu.async_copy(l_hbm.at[pl.ds(base, C2)], l_v, sem_l)
    cp_y = pltpu.async_copy(y_hbm.at[pl.ds(base, C2)], y_v, sem_y)
    cp_l.wait()
    cp_y.wait()

    zeros = jnp.zeros((L,), jnp.float32)

    def body(i, b_acc):
        lv = l_v[pl.ds(i, L)]
        yv = y_v[pl.ds(i, L)]
        al = jnp.abs(lv)
        t = jnp.exp(-al)
        w = 1.0 / (1.0 + t)
        p = jnp.where(lv >= 0.0, w, t * w)
        p_v[pl.ds(i, L)] = p
        z = t / (2.0 + t)
        sp = jnp.maximum(-lv, 0.0) + _log1p_poly_z(z)
        return b_acc + sp * (1.0 + 2.0 * yv) + (1.0 - yv) * lv

    b_acc = plsc.parallel_loop(0, C2, step=L, unroll=4, carry=zeros)(body)
    pltpu.sync_copy(p_v, p_hbm.at[pl.ds(base, C2)])
    st_v[...] = b_acc
    pltpu.sync_copy(st_v, out_hbm.at[pl.ds(wid * L, L)])


_sc_bce = pl.kernel(
    _sc_bce_body,
    out_type=(
        jax.ShapeDtypeStruct((N_EDGES,), jnp.float32),
        jax.ShapeDtypeStruct((NC * NS * L,), jnp.float32),
    ),
    mesh=plsc.VectorSubcoreMesh(core_axis_name="c", subcore_axis_name="s"),
    scratch_types=[
        pltpu.VMEM((C2,), jnp.float32),
        pltpu.VMEM((C2,), jnp.float32),
        pltpu.VMEM((C2,), jnp.float32),
        pltpu.VMEM((L,), jnp.float32),
        pltpu.SemaphoreType.DMA,
        pltpu.SemaphoreType.DMA,
    ],
)


def _tc_rank_body(d_ref, p_ref, b_ref, out_ref):
    d = d_ref[...]
    maxd = jnp.max(d)
    mind = jnp.min(d)
    m = maxd + 1e-8
    min_s = WEIGHT_DISTANCE * (1.0 - maxd / m)
    max_s = WEIGHT_DISTANCE * (1.0 - mind / m)
    den = max_s - min_s + 1e-8
    coef = (WEIGHT_DISTANCE / m) / den
    inv = 1.0 - coef * (maxd - d)
    r = p_ref[...] - inv
    rank_mean = jnp.sum(r * r) * (1.0 / N_EDGES)
    bce_mean = jnp.sum(b_ref[...]) * (1.0 / N_EDGES)
    total = (1.0 - ALPHA) * bce_mean + ALPHA * rank_mean
    out_ref[...] = total.reshape(1, 1)


_tc_rank = pl.pallas_call(
    _tc_rank_body,
    out_shape=jax.ShapeDtypeStruct((1, 1), jnp.float32),
    in_specs=[
        pl.BlockSpec(memory_space=pltpu.VMEM),
        pl.BlockSpec(memory_space=pltpu.VMEM),
        pl.BlockSpec(memory_space=pltpu.VMEM),
    ],
    out_specs=pl.BlockSpec(memory_space=pltpu.VMEM),
)


def kernel(logits, x, edge_index, edge_attr, y):
    del x, edge_index
    p_flat, bce_out = _sc_bce(logits, y)
    d = jnp.reshape(edge_attr, (N_EDGES,))
    d2 = jnp.reshape(d, (2500, 128))
    p2 = jnp.reshape(p_flat, (2500, 128))
    b2 = jnp.reshape(bce_out, (4, 128))
    total = _tc_rank(d2, p2, b2)
    return total[0, 0]

# --- scband reference (transcript-rebuilt; emitter-appended) ---
"""Pipeline reference for scband-smart-mstloss-17111149707307 (READ-ONLY COPY).

The authoritative reference and input builder live on the scoring server;
editing this copy changes nothing except your own understanding.
"""

import jax, jax.numpy as jnp
import numpy as np

ALPHA = 0.5
POS_WEIGHT = 3.0
WEIGHT_DISTANCE = 0.15


def setup_inputs(seed: int = 0) -> dict:
    key = jax.random.key(seed)
    k1, k2, k3, k4, k5 = jax.random.split(key, 5)
    n_nodes = 10000
    n_edges = 320000
    d_feat = 128
    logits = jax.random.normal(k1, (n_edges,), dtype=jnp.float32)
    x = jax.random.normal(k2, (n_nodes, d_feat), dtype=jnp.float32)
    edge_index = jax.random.randint(k3, (2, n_edges), 0, n_nodes, dtype=jnp.int64)
    edge_attr = jax.random.uniform(k4, (n_edges, 1), dtype=jnp.float32)
    y = jax.random.randint(k5, (n_edges,), 0, 2).astype(jnp.float32)
    return {"logits": logits, "x": x, "edge_index": edge_index, "edge_attr": edge_attr, "y": y}


def _bce_with_logits_pos_weight(logits, y, pos_weight):
    # Numerically stable BCEWithLogitsLoss with pos_weight, mean reduction.
    # loss = pos_weight * y * softplus(-x) + (1 - y) * (x + softplus(-x))
    sp_neg = jax.nn.softplus(-logits)
    loss = pos_weight * y * sp_neg + (1.0 - y) * (logits + sp_neg)
    return jnp.mean(loss)


def _compute_edge_scores(x, edge_index, edge_attr, normalize=True):
    # Basic mode (no schema): score comes only from edge distances.
    distances = jnp.squeeze(edge_attr, -1)
    max_dist = jnp.max(distances)
    distance_score = 1.0 - distances / (max_dist + 1e-08)
    total_score = WEIGHT_DISTANCE * distance_score
    if normalize:
        min_score = jnp.min(total_score)
        max_score = jnp.max(total_score)
        total_score = (total_score - min_score) / (max_score - min_score + 1e-08)
    return total_score


def reference(logits, x, edge_index, edge_attr, y):
    bce = _bce_with_logits_pos_weight(logits, y, POS_WEIGHT)
    edge_scores = _compute_edge_scores(x, edge_index, edge_attr, normalize=True)
    probabilities = jax.nn.sigmoid(logits)
    inverted_scores = 1.0 - edge_scores
    ranking_loss = jnp.mean((probabilities - inverted_scores) ** 2)
    total_loss = (1.0 - ALPHA) * bce + ALPHA * ranking_loss
    return total_loss

if __name__ == "__main__":
    import jax
    _d = setup_inputs()
    print(jax.jit(kernel)(*tuple(_d.values())))

</pallas_src>

<mosaic_0001>
#map = affine_map<(d0, d1) -> (0)>
module attributes {stable_mosaic.version = 14 : i64} {
  func.func @_sc_bce_body(%arg0: i32, %arg1: i32, %arg2: memref<320000xf32, #tpu.memory_space<hbm>>, %arg3: memref<320000xf32, #tpu.memory_space<hbm>>, %arg4: memref<320000xf32, #tpu.memory_space<hbm>>, %arg5: memref<512xf32, #tpu.memory_space<hbm>>, %arg6: memref<10000xf32, #tpu.memory_space<vmem>>, %arg7: memref<10000xf32, #tpu.memory_space<vmem>>, %arg8: memref<10000xf32, #tpu.memory_space<vmem>>, %arg9: memref<16xf32, #tpu.memory_space<vmem>>, %arg10: memref<!tpu.dma_semaphore, #tpu.memory_space<semaphore_mem>>, %arg11: memref<!tpu.dma_semaphore, #tpu.memory_space<semaphore_mem>>) attributes {dimension_semantics = [#tpu.dimension_semantics<core_parallel>, #tpu.dimension_semantics<subcore_parallel>], iteration_bounds = array<i64: 2, 16>, scalar_prefetch = 0 : i64, scratch_operands = 6 : i64, tpu.core_type = #tpu.core_type<sc_vector_subcore>, window_params = [{transform_indices = #map}, {transform_indices = #map}, {transform_indices = #map}, {transform_indices = #map}]} {
    %mul3A = arith.constant 2 : i32
    %mul3A_0 = arith.muli %arg1, %mul3A : i32
    %add3A = arith.addi %mul3A_0, %arg0 : i32
    %mul3A_1 = arith.constant 10000 : i32
    %mul3A_2 = arith.muli %add3A, %mul3A_1 : i32
    %dma_start3A = tpu.memref_slice %arg2[%mul3A_2] : memref<320000xf32, #tpu.memory_space<hbm>> -> memref<10000xf32, #tpu.memory_space<hbm>>
    %dma_start3A_3 = tpu.memref_slice %arg2[%mul3A_2] : memref<320000xf32, #tpu.memory_space<hbm>> -> memref<10000xf32, #tpu.memory_space<hbm>>
    tpu.enqueue_dma source(%dma_start3A_3 : memref<10000xf32, #tpu.memory_space<hbm>>) target(%arg6 : memref<10000xf32, #tpu.memory_space<vmem>>) target_semaphore(%arg10 : memref<!tpu.dma_semaphore, #tpu.memory_space<semaphore_mem>>)
    %dma_start3A_4 = tpu.memref_slice %arg3[%mul3A_2] : memref<320000xf32, #tpu.memory_space<hbm>> -> memref<10000xf32, #tpu.memory_space<hbm>>
    %dma_start3A_5 = tpu.memref_slice %arg3[%mul3A_2] : memref<320000xf32, #tpu.memory_space<hbm>> -> memref<10000xf32, #tpu.memory_space<hbm>>
    tpu.enqueue_dma source(%dma_start3A_5 : memref<10000xf32, #tpu.memory_space<hbm>>) target(%arg7 : memref<10000xf32, #tpu.memory_space<vmem>>) target_semaphore(%arg11 : memref<!tpu.dma_semaphore, #tpu.memory_space<semaphore_mem>>)
    %dma_wait3A = tpu.memref_slice %arg2[%mul3A_2] : memref<320000xf32, #tpu.memory_space<hbm>> -> memref<10000xf32, #tpu.memory_space<hbm>>
    %dma_wait3A_6 = tpu.memref_slice %arg2[%mul3A_2] : memref<320000xf32, #tpu.memory_space<hbm>> -> memref<10000xf32, #tpu.memory_space<hbm>>
    tpu.wait_dma2 semaphore(%arg10 : memref<!tpu.dma_semaphore, #tpu.memory_space<semaphore_mem>>) src(%dma_wait3A_6 : memref<10000xf32, #tpu.memory_space<hbm>>) dst(%arg6 : memref<10000xf32, #tpu.memory_space<vmem>>)
    %dma_wait3A_7 = tpu.memref_slice %arg3[%mul3A_2] : memref<320000xf32, #tpu.memory_space<hbm>> -> memref<10000xf32, #tpu.memory_space<hbm>>
    %dma_wait3A_8 = tpu.memref_slice %arg3[%mul3A_2] : memref<320000xf32, #tpu.memory_space<hbm>> -> memref<10000xf32, #tpu.memory_space<hbm>>
    tpu.wait_dma2 semaphore(%arg11 : memref<!tpu.dma_semaphore, #tpu.memory_space<semaphore_mem>>) src(%dma_wait3A_8 : memref<10000xf32, #tpu.memory_space<hbm>>) dst(%arg7 : memref<10000xf32, #tpu.memory_space<vmem>>)
    %broadcast_in_dim3A = arith.constant 0.000000e+00 : f32
    %broadcast_in_dim3A_9 = vector.broadcast %broadcast_in_dim3A : f32 to vector<16xf32>
    %parallel_loop3A = arith.constant 0 : i32
    %parallel_loop3A_10 = arith.constant 10000 : i32
    %parallel_loop3A_11 = arith.constant 16 : i32
    %parallel_loop3A_12 = scf.for %parallel_loop3A_18 = %parallel_loop3A to %parallel_loop3A_10 step %parallel_loop3A_11 iter_args(%parallel_loop3A_19 = %broadcast_in_dim3A_9) -> (vector<16xf32>)  : i32 {
      %parallel_loop3A_20 = arith.index_cast %parallel_loop3A_18 : i32 to index
      %parallel_loop3A_21 = tpu.vector_load %arg6[%parallel_loop3A_20] {strides = array<i32>} : memref<10000xf32, #tpu.memory_space<vmem>>, vector<16xf32>,
      %parallel_loop3A_22 = vector.shape_cast %parallel_loop3A_21 : vector<16xf32> to vector<16xf32>
      %parallel_loop3A_23 = arith.index_cast %parallel_loop3A_18 : i32 to index
      %parallel_loop3A_24 = tpu.vector_load %arg7[%parallel_loop3A_23] {strides = array<i32>} : memref<10000xf32, #tpu.memory_space<vmem>>, vector<16xf32>,
      %parallel_loop3A_25 = vector.shape_cast %parallel_loop3A_24 : vector<16xf32> to vector<16xf32>
      %parallel_loop3A_26 = math.absf %parallel_loop3A_22 : vector<16xf32>
      %parallel_loop3A_27 = arith.constant 0.000000e+00 : f32
      %parallel_loop3A_28 = vector.broadcast %parallel_loop3A_27 : f32 to vector<16xf32>
      %parallel_loop3A_29 = arith.subf %parallel_loop3A_28, %parallel_loop3A_26 : vector<16xf32>
      %parallel_loop3A_30 = math.exp %parallel_loop3A_29 : vector<16xf32>
      %parallel_loop3A_31 = arith.constant 1.000000e+00 : f32
      %parallel_loop3A_32 = vector.broadcast %parallel_loop3A_31 : f32 to vector<16xf32>
      %parallel_loop3A_33 = arith.addf %parallel_loop3A_32, %parallel_loop3A_30 : vector<16xf32>
      %parallel_loop3A_34 = arith.constant 1.000000e+00 : f32
      %parallel_loop3A_35 = vector.broadcast %parallel_loop3A_34 : f32 to vector<16xf32>
      %parallel_loop3A_36 = arith.divf %parallel_loop3A_35, %parallel_loop3A_33 : vector<16xf32>
      %parallel_loop3A_37 = arith.constant 0.000000e+00 : f32
      %parallel_loop3A_38 = vector.broadcast %parallel_loop3A_37 : f32 to vector<16xf32>
      %parallel_loop3A_39 = arith.cmpf oge, %parallel_loop3A_22, %parallel_loop3A_38 : vector<16xf32>
      %parallel_loop3A_40 = arith.mulf %parallel_loop3A_30, %parallel_loop3A_36 : vector<16xf32>
      %parallel_loop3A_41 = arith.select %parallel_loop3A_39, %parallel_loop3A_36, %parallel_loop3A_40 : vector<16xi1>, vector<16xf32>
      %parallel_loop3A_42 = arith.index_cast %parallel_loop3A_18 : i32 to index
      %parallel_loop3A_43 = tpu.vector_load %arg8[%parallel_loop3A_42] {strides = array<i32>} : memref<10000xf32, #tpu.memory_space<vmem>>, vector<16xf32>,
      %parallel_loop3A_44 = vector.shape_cast %parallel_loop3A_43 : vector<16xf32> to vector<16xf32>
      %parallel_loop3A_45 = vector.shape_cast %parallel_loop3A_41 : vector<16xf32> to vector<16xf32>
      tpu.vector_store %arg8[%parallel_loop3A_42], %parallel_loop3A_45 {strides = array<i32>} : memref<10000xf32, #tpu.memory_space<vmem>>, vector<16xf32>,
      %parallel_loop3A_46 = arith.constant 2.000000e+00 : f32
      %parallel_loop3A_47 = vector.broadcast %parallel_loop3A_46 : f32 to vector<16xf32>
      %parallel_loop3A_48 = arith.addf %parallel_loop3A_47, %parallel_loop3A_30 : vector<16xf32>
      %parallel_loop3A_49 = arith.divf %parallel_loop3A_30, %parallel_loop3A_48 : vector<16xf32>
      %parallel_loop3A_50 = arith.constant 0.000000e+00 : f32
      %parallel_loop3A_51 = vector.broadcast %parallel_loop3A_50 : f32 to vector<16xf32>
      %parallel_loop3A_52 = arith.subf %parallel_loop3A_51, %parallel_loop3A_22 : vector<16xf32>
      %parallel_loop3A_53 = arith.constant 0.000000e+00 : f32
      %parallel_loop3A_54 = vector.broadcast %parallel_loop3A_53 : f32 to vector<16xf32>
      %parallel_loop3A_55 = arith.maximumf %parallel_loop3A_52, %parallel_loop3A_54 : vector<16xf32>
      %parallel_loop3A_56 = arith.mulf %parallel_loop3A_49, %parallel_loop3A_49 : vector<16xf32>
      %parallel_loop3A_57 = arith.constant 2.000000e+00 : f32
      %parallel_loop3A_58 = vector.broadcast %parallel_loop3A_57 : f32 to vector<16xf32>
      %parallel_loop3A_59 = arith.mulf %parallel_loop3A_58, %parallel_loop3A_49 : vector<16xf32>
      %parallel_loop3A_60 = arith.constant 0.142857149 : f32
      %parallel_loop3A_61 = vector.broadcast %parallel_loop3A_60 : f32 to vector<16xf32>
      %parallel_loop3A_62 = arith.mulf %parallel_loop3A_56, %parallel_loop3A_61 : vector<16xf32>
      %parallel_loop3A_63 = arith.constant 2.000000e-01 : f32
      %parallel_loop3A_64 = vector.broadcast %parallel_loop3A_63 : f32 to vector<16xf32>
      %parallel_loop3A_65 = arith.addf %parallel_loop3A_64, %parallel_loop3A_62 : vector<16xf32>
      %parallel_loop3A_66 = arith.mulf %parallel_loop3A_56, %parallel_loop3A_65 : vector<16xf32>
      %parallel_loop3A_67 = arith.constant 0.333333343 : f32
      %parallel_loop3A_68 = vector.broadcast %parallel_loop3A_67 : f32 to vector<16xf32>
      %parallel_loop3A_69 = arith.addf %parallel_loop3A_68, %parallel_loop3A_66 : vector<16xf32>
      %parallel_loop3A_70 = arith.mulf %parallel_loop3A_56, %parallel_loop3A_69 : vector<16xf32>
      %parallel_loop3A_71 = arith.constant 1.000000e+00 : f32
      %parallel_loop3A_72 = vector.broadcast %parallel_loop3A_71 : f32 to vector<16xf32>
      %parallel_loop3A_73 = arith.addf %parallel_loop3A_72, %parallel_loop3A_70 : vector<16xf32>
      %parallel_loop3A_74 = arith.mulf %parallel_loop3A_59, %parallel_loop3A_73 : vector<16xf32>
      %parallel_loop3A_75 = arith.addf %parallel_loop3A_55, %parallel_loop3A_74 : vector<16xf32>
      %parallel_loop3A_76 = arith.constant 2.000000e+00 : f32
      %parallel_loop3A_77 = vector.broadcast %parallel_loop3A_76 : f32 to vector<16xf32>
      %parallel_loop3A_78 = arith.mulf %parallel_loop3A_77, %parallel_loop3A_25 : vector<16xf32>
      %parallel_loop3A_79 = arith.constant 1.000000e+00 : f32
      %parallel_loop3A_80 = vector.broadcast %parallel_loop3A_79 : f32 to vector<16xf32>
      %parallel_loop3A_81 = arith.addf %parallel_loop3A_80, %parallel_loop3A_78 : vector<16xf32>
      %parallel_loop3A_82 = arith.mulf %parallel_loop3A_75, %parallel_loop3A_81 : vector<16xf32>
      %parallel_loop3A_83 = arith.addf %parallel_loop3A_19, %parallel_loop3A_82 : vector<16xf32>
      %parallel_loop3A_84 = arith.constant 1.000000e+00 : f32
      %parallel_loop3A_85 = vector.broadcast %parallel_loop3A_84 : f32 to vector<16xf32>
      %parallel_loop3A_86 = arith.subf %parallel_loop3A_85, %parallel_loop3A_25 : vector<16xf32>
      %parallel_loop3A_87 = arith.mulf %parallel_loop3A_86, %parallel_loop3A_22 : vector<16xf32>
      %parallel_loop3A_88 = arith.addf %parallel_loop3A_83, %parallel_loop3A_87 : vector<16xf32>
      scf.yield %parallel_loop3A_88 : vector<16xf32>
    } {sc.loop_unroll_factor = 4 : i64, sc.parallel_access}
    "tpu.region"() ({
      %run_scoped3A = tpu.sem_alloc : memref<!tpu.dma_semaphore, #tpu.memory_space<semaphore_mem>>
      %dma_start3A_18 = tpu.memref_slice %arg4[%mul3A_2] : memref<320000xf32, #tpu.memory_space<hbm>> -> memref<10000xf32, #tpu.memory_space<hbm>>
      %dma_start3A_19 = tpu.memref_slice %arg4[%mul3A_2] : memref<320000xf32, #tpu.memory_space<hbm>> -> memref<10000xf32, #tpu.memory_space<hbm>>
      tpu.enqueue_dma source(%arg8 : memref<10000xf32, #tpu.memory_space<vmem>>) target(%dma_start3A_19 : memref<10000xf32, #tpu.memory_space<hbm>>) target_semaphore(%run_scoped3A : memref<!tpu.dma_semaphore, #tpu.memory_space<semaphore_mem>>)
      %dma_wait3A_20 = tpu.memref_slice %arg4[%mul3A_2] : memref<320000xf32, #tpu.memory_space<hbm>> -> memref<10000xf32, #tpu.memory_space<hbm>>
      %dma_wait3A_21 = tpu.memref_slice %arg4[%mul3A_2] : memref<320000xf32, #tpu.memory_space<hbm>> -> memref<10000xf32, #tpu.memory_space<hbm>>
      tpu.wait_dma2 semaphore(%run_scoped3A : memref<!tpu.dma_semaphore, #tpu.memory_space<semaphore_mem>>) src(%arg8 : memref<10000xf32, #tpu.memory_space<vmem>>) dst(%dma_wait3A_21 : memref<10000xf32, #tpu.memory_space<hbm>>)
      tpu.yield
    }) : () -> ()
    %swap3A = arith.constant 0 : index
    %swap3A_13 = tpu.vector_load %arg9[%swap3A] {strides = array<i32>} : memref<16xf32, #tpu.memory_space<vmem>>, vector<16xf32>,
    %swap3A_14 = vector.shape_cast %swap3A_13 : vector<16xf32> to vector<16xf32>
    %swap3A_15 = vector.shape_cast %parallel_loop3A_12 : vector<16xf32> to vector<16xf32>
    tpu.vector_store %arg9[%swap3A], %swap3A_15 {strides = array<i32>} : memref<16xf32, #tpu.memory_space<vmem>>, vector<16xf32>,
    %mul3A_16 = arith.constant 16 : i32
    %mul3A_17 = arith.muli %add3A, %mul3A_16 : i32
    "tpu.region"() ({
      %run_scoped3A = tpu.sem_alloc : memref<!tpu.dma_semaphore, #tpu.memory_space<semaphore_mem>>
      %dma_start3A_18 = tpu.memref_slice %arg5[%mul3A_17] : memref<512xf32, #tpu.memory_space<hbm>> -> memref<16xf32, #tpu.memory_space<hbm>>
      %dma_start3A_19 = tpu.memref_slice %arg5[%mul3A_17] : memref<512xf32, #tpu.memory_space<hbm>> -> memref<16xf32, #tpu.memory_space<hbm>>
      tpu.enqueue_dma source(%arg9 : memref<16xf32, #tpu.memory_space<vmem>>) target(%dma_start3A_19 : memref<16xf32, #tpu.memory_space<hbm>>) target_semaphore(%run_scoped3A : memref<!tpu.dma_semaphore, #tpu.memory_space<semaphore_mem>>)
      %dma_wait3A_20 = tpu.memref_slice %arg5[%mul3A_17] : memref<512xf32, #tpu.memory_space<hbm>> -> memref<16xf32, #tpu.memory_space<hbm>>
      %dma_wait3A_21 = tpu.memref_slice %arg5[%mul3A_17] : memref<512xf32, #tpu.memory_space<hbm>> -> memref<16xf32, #tpu.memory_space<hbm>>
      tpu.wait_dma2 semaphore(%run_scoped3A : memref<!tpu.dma_semaphore, #tpu.memory_space<semaphore_mem>>) src(%arg9 : memref<16xf32, #tpu.memory_space<vmem>>) dst(%dma_wait3A_21 : memref<16xf32, #tpu.memory_space<hbm>>)
      tpu.yield
    }) : () -> ()
    return
  }
}

module attributes {stable_mosaic.version = 14 : i64} {
  func.func @_tc_rank_body(%arg0: memref<2500x128xf32, #tpu.memory_space<vmem>>, %arg1: memref<2500x128xf32, #tpu.memory_space<vmem>>, %arg2: memref<4x128xf32, #tpu.memory_space<vmem>>, %arg3: memref<1x1xf32, #tpu.memory_space<vmem>>) attributes {dimension_semantics = [], scalar_prefetch = 0 : i64, scratch_operands = 0 : i64, tpu.core_type = #tpu.core_type<tc>} {
    %get3A = arith.constant 0 : index
    %get3A_0 = arith.constant 0 : index
    %get3A_1 = vector.load %arg0[%get3A, %get3A_0] : memref<2500x128xf32, #tpu.memory_space<vmem>>, vector<2500x128xf32>
    %reduce_max3A = vector.shape_cast %get3A_1 : vector<2500x128xf32> to vector<1x2500x128xf32>
    %reduce_max3A_2 = arith.constant dense<0xFF800000> : vector<1xf32>
    %reduce_max3A_3 = vector.multi_reduction <maximumf>, %reduce_max3A, %reduce_max3A_2 [1, 2] : vector<1x2500x128xf32> to vector<1xf32>
    %reduce_max3A_4 = vector.shape_cast %reduce_max3A_3 : vector<1xf32> to vector<1x1x1xf32>
    %reduce_max3A_5 = vector.extract %reduce_max3A_4[0, 0, 0] : f32 from vector<1x1x1xf32>
    %reduce_min3A = vector.shape_cast %get3A_1 : vector<2500x128xf32> to vector<1x2500x128xf32>
    %reduce_min3A_6 = arith.constant dense<0x7F800000> : vector<1xf32>
    %reduce_min3A_7 = vector.multi_reduction <minimumf>, %reduce_min3A, %reduce_min3A_6 [1, 2] : vector<1x2500x128xf32> to vector<1xf32>
    %reduce_min3A_8 = vector.shape_cast %reduce_min3A_7 : vector<1xf32> to vector<1x1x1xf32>
    %reduce_min3A_9 = vector.extract %reduce_min3A_8[0, 0, 0] : f32 from vector<1x1x1xf32>
    %add3A = arith.constant 9.99999993E-9 : f32
    %add3A_10 = arith.addf %reduce_max3A_5, %add3A : f32
    %div3A = arith.divf %reduce_max3A_5, %add3A_10 : f32
    %sub3A = arith.constant 1.000000e+00 : f32
    %sub3A_11 = arith.subf %sub3A, %div3A : f32
    %mul3A = arith.constant 1.500000e-01 : f32
    %mul3A_12 = arith.mulf %mul3A, %sub3A_11 : f32
    %div3A_13 = arith.divf %reduce_min3A_9, %add3A_10 : f32
    %sub3A_14 = arith.constant 1.000000e+00 : f32
    %sub3A_15 = arith.subf %sub3A_14, %div3A_13 : f32
    %mul3A_16 = arith.constant 1.500000e-01 : f32
    %mul3A_17 = arith.mulf %mul3A_16, %sub3A_15 : f32
    %sub3A_18 = arith.subf %mul3A_17, %mul3A_12 : f32
    %add3A_19 = arith.constant 9.99999993E-9 : f32
    %add3A_20 = arith.addf %sub3A_18, %add3A_19 : f32
    %div3A_21 = arith.constant 1.500000e-01 : f32
    %div3A_22 = arith.divf %div3A_21, %add3A_10 : f32
    %div3A_23 = arith.divf %div3A_22, %add3A_20 : f32
    %sub3A_24 = vector.broadcast %reduce_max3A_5 : f32 to vector<2500x128xf32>
    %sub3A_25 = arith.subf %sub3A_24, %get3A_1 : vector<2500x128xf32>
    %mul3A_26 = vector.broadcast %div3A_23 : f32 to vector<2500x128xf32>
    %mul3A_27 = arith.mulf %mul3A_26, %sub3A_25 : vector<2500x128xf32>
    %sub3A_28 = arith.constant 1.000000e+00 : f32
    %sub3A_29 = vector.broadcast %sub3A_28 : f32 to vector<2500x128xf32>
    %sub3A_30 = arith.subf %sub3A_29, %mul3A_27 : vector<2500x128xf32>
    %get3A_31 = arith.constant 0 : index
    %get3A_32 = arith.constant 0 : index
    %get3A_33 = vector.load %arg1[%get3A_31, %get3A_32] : memref<2500x128xf32, #tpu.memory_space<vmem>>, vector<2500x128xf32>
    %sub3A_34 = arith.subf %get3A_33, %sub3A_30 : vector<2500x128xf32>
    %mul3A_35 = arith.mulf %sub3A_34, %sub3A_34 : vector<2500x128xf32>
    %reduce_sum3A = vector.shape_cast %mul3A_35 : vector<2500x128xf32> to vector<1x2500x128xf32>
    %reduce_sum3A_36 = arith.constant dense<0.000000e+00> : vector<1xf32>
    %reduce_sum3A_37 = vector.multi_reduction <add>, %reduce_sum3A, %reduce_sum3A_36 [1, 2] : vector<1x2500x128xf32> to vector<1xf32>
    %reduce_sum3A_38 = vector.shape_cast %reduce_sum3A_37 : vector<1xf32> to vector<1x1x1xf32>
    %reduce_sum3A_39 = vector.extract %reduce_sum3A_38[0, 0, 0] : f32 from vector<1x1x1xf32>
    %mul3A_40 = arith.constant 3.125000e-06 : f32
    %mul3A_41 = arith.mulf %reduce_sum3A_39, %mul3A_40 : f32
    %get3A_42 = arith.constant 0 : index
    %get3A_43 = arith.constant 0 : index
    %get3A_44 = vector.load %arg2[%get3A_42, %get3A_43] : memref<4x128xf32, #tpu.memory_space<vmem>>, vector<4x128xf32>
    %reduce_sum3A_45 = vector.shape_cast %get3A_44 : vector<4x128xf32> to vector<1x4x128xf32>
    %reduce_sum3A_46 = arith.constant dense<0.000000e+00> : vector<1xf32>
    %reduce_sum3A_47 = vector.multi_reduction <add>, %reduce_sum3A_45, %reduce_sum3A_46 [1, 2] : vector<1x4x128xf32> to vector<1xf32>
    %reduce_sum3A_48 = vector.shape_cast %reduce_sum3A_47 : vector<1xf32> to vector<1x1x1xf32>
    %reduce_sum3A_49 = vector.extract %reduce_sum3A_48[0, 0, 0] : f32 from vector<1x1x1xf32>
    %mul3A_50 = arith.constant 3.125000e-06 : f32
    %mul3A_51 = arith.mulf %reduce_sum3A_49, %mul3A_50 : f32
    %mul3A_52 = arith.constant 5.000000e-01 : f32
    %mul3A_53 = arith.mulf %mul3A_52, %mul3A_51 : f32
    %mul3A_54 = arith.constant 5.000000e-01 : f32
    %mul3A_55 = arith.mulf %mul3A_54, %mul3A_41 : f32
    %add3A_56 = arith.addf %mul3A_53, %mul3A_55 : f32
    %reshape3A = vector.broadcast %add3A_56 : f32 to vector<1x1xf32>
    %swap3A = arith.constant 0 : index
    %swap3A_57 = arith.constant 0 : index
    %swap3A_58 = vector.load %arg3[%swap3A, %swap3A_57] : memref<1x1xf32, #tpu.memory_space<vmem>>, vector<1x1xf32>
    tpu.vector_store %arg3[%swap3A, %swap3A_57], %reshape3A {strides = array<i32>} : memref<1x1xf32, #tpu.memory_space<vmem>>, vector<1x1xf32>,
    return
  }
}

</mosaic_0001>

<sc_bundles>
// kernel: kernel.4.cloned.1.call-start
scs
__scs_entry_jumppad:
0x0: {  	(pc) =	sbr.rel $0x88, $3  }
0x1: {  	(tag) =	ssettag $0x0;
	lr =	simm.s32 $0x1  }
0x2: {  	[smem:$0x3F9E] =	sst lr;
	_ =	strace $0xD0000000  }
0x3: {  	_ = 	snop  }
0x4: {  	_ = 	snop  }
0x5: {  	_ = 	snop  }
0x6: {  	_ = 	snop  }
0x7: {  	_ = 	snop  }
__scs_overlays_trampoline_lowered:
0x8: {  	[smem:$0x3FAD] =	sst s0  }
0x9: {  	[smem:$0x3FAE] =	sst s1  }
0xa: {  	[smem:$0x3FAF] =	sst s2  }
0xb: {  	[smem:$0x3FB0] =	sst s3  }
0xc: {  	[smem:$0x3FB1] =	sst s4  }
0xd: {  	[smem:$0x3FB2] =	sst s5  }
0xe: {  	[smem:$0x3FB3] =	sst s6  }
0xf: {  	[smem:$0x3FB4] =	sst s7  }
0x10: {  	[smem:$0x3FB5] =	sst s8  }
0x11: {  	[smem:$0x3FB6] =	sst s9;
	s0 =	simm.s32 @!p0 $0x0  }
0x12: {  	s1 =	sld [smem:$0x3F9C];
	s0 =	simm.s32 @p0 $0x1  }
0x13: {  	[smem:$0x3FB7] =	sst s0;
	s0 =	simm.s32 @!p1 $0x0  }
0x14: {  	s2 =	sld [smem:$0x3F9B];
	s0 =	simm.s32 @p1 $0x1  }
0x15: {  	[smem:$0x3FB8] =	sst s0;
	s0 =	simm.s32 @!p2 $0x0  }
0x16: {  	s3 =	sld [smem:$0x3FDB];
	s0 =	simm.s32 @p2 $0x1  }
0x17: {  	s4 =	simm.s32 $0x1BF5;
	[smem:$0x3FBA] =	sst s0  }
0x18: {  	s0 =	sld [smem:$0x3F9D];
	_ =	swait.ge [sflag:s4], $0x0  }
0x19: {  	s7 =	sld [smem:$0x3F9E]  }
0x1a: {  	s8 =	sadd.s32 $0xFFFFE003, lr  }
0x1b: {  	s9 =	sadd.s32 $0xFFFFFEF7, lr;
	s5 =	simm.s32 $0xFFFFFFFF;
	p2 =	slt.u32 s8, $0xFFFFF086  }
0x1c: {  	p1 =	slt.u32 s9, $0xF7A;
	s5 =	simm.s32 @!p2 $0x0  }
0x1d: {  	s5 =	simm.s32 @p1 $0x1;
	p0 =	seq.s32 s7, s2  }
0x1e: {  	s7 =	smul.u32 @!p0 $0xF7A, s2;
	p2 =	seq.s32 @!p0 s5, $0x0  }
0x1f: {  	s9 =	smul.u32 $0xF7A, s1;
	s8 =	simm.s32 @!p0 $0x1BF5;
	p2 =	por !p2, p0  }
0x20: {  	[sflag:s8] =	ssyncset.s32 @!p0 $0xFFFFF086;
	s6 =	sadd.s32 @!p0 s3, s7;
	s7 =	simm.s32 @!p0 $0x108  }
0x21: {  	s3 =	sadd.s32 s3, s9;
	s6 =	sadd.s32 @!p0 $0x88, s6;
	s7 =	simm.s32 @p2 $0x1082  }
0x22: {  	[simem:s7], [sflag:s8] =	dma.local @!p0 [hbm:s6], $0xF7A  }
0x23: {  	s9 =	sor.u32 $0xD0000000, s2;
	s6 =	simm.s32 $0x108;
	_ =	swait.ge @!p0 [sflag:s8], $0x0  }
0x24: {  	s3 =	sadd.s32 $0x88, s3;
	s6 =	simm.s32 @!p1 $0x1082;
	[sflag:s4] =	ssyncset.s32 $0xFFFFF086  }
0x25: {  	[simem:s6], [sflag:s4] =	dma.local [hbm:s3], $0xF7A  }
0x26: {  	[smem:$0x3F9E] =	sst s1;
	(tag) =	ssettag s2;
	_ =	strace s9  }
0x27: {  	s1 =	sld [smem:$0x3FAE]  }
0x28: {  	s2 =	sld [smem:$0x3FAF]  }
0x29: {  	s4 =	sld [smem:$0x3FB1]  }
0x2a: {  	p0 =	seq.s32 s5, $0x0;
	s5 =	sld [smem:$0x3FB2]  }
0x2b: {  	s6 =	sld [smem:$0x3FB3]  }
0x2c: {  	s7 =	sld [smem:$0x3FB4]  }
0x2d: {  	s3 =	simm.s32 $0x108;
	s8 =	sld [smem:$0x3FB5]  }
0x2e: {  	s3 =	simm.s32 @!p0 $0x1082;
	s9 =	sld [smem:$0x3FB6]  }
0x2f: {  	lr =	sadd.s32 s0, s3;
	s0 =	sld [smem:$0x3FAD]  }
0x30: {  	s3 =	sld [smem:$0x3FB0]  }
0x31: {  	[smem:$0x3FB9] =	sst s10  }
0x32: {  	s10 =	sld [smem:$0x3FB7];
	_ =	sdelay $0x3  }
0x33: {  	p0 =	seq.s32 s10, $0x1;
	s10 =	sld [smem:$0x3FB9];
	_ =	sdelay $0x3  }
0x34: {  	[smem:$0x3FB9] =	sst s10  }
0x35: {  	s10 =	sld [smem:$0x3FB8];
	_ =	sdelay $0x3  }
0x36: {  	p1 =	seq.s32 s10, $0x1;
	s10 =	sld [smem:$0x3FB9];
	_ =	sdelay $0x3  }
0x37: {  	[smem:$0x3FB9] =	sst s10  }
0x38: {  	s10 =	sld [smem:$0x3FBA]  }
0x39: {  	_ = 	snop;
	(pc) =	sbr.ind lr, $3  }
0x3a: {  	_ = 	snop  }
0x3b: {  	_ = 	snop  }
0x3c: {  	p2 =	seq.s32 s10, $0x1;
	s10 =	sld [smem:$0x3FB9]  }
0x3d: {  	_ =	shalt  }
0x3e: {  	_ =	shalt  }
0x3f: {  	_ =	shalt  }
0x40: {  	_ =	shalt  }
0x41: {  	_ =	shalt  }
0x42: {  	_ =	shalt  }
0x43: {  	_ =	shalt  }
0x44: {  	_ =	shalt  }
0x45: {  	_ =	shalt  }
0x46: {  	_ =	shalt  }
0x47: {  	_ =	shalt  }
0x48: {  	_ =	shalt  }
0x49: {  	_ =	shalt  }
0x4a: {  	_ =	shalt  }
0x4b: {  	_ =	shalt  }
0x4c: {  	_ =	shalt  }
0x4d: {  	_ =	shalt  }
0x4e: {  	_ =	shalt  }
0x4f: {  	_ =	shalt  }
0x50: {  	_ =	shalt  }
0x51: {  	_ =	shalt  }
0x52: {  	_ =	shalt  }
0x53: {  	_ =	shalt  }
0x54: {  	_ =	shalt  }
0x55: {  	_ =	shalt  }
0x56: {  	_ =	shalt  }
0x57: {  	_ =	shalt  }
0x58: {  	_ =	shalt  }
0x59: {  	_ =	shalt  }
0x5a: {  	_ =	shalt  }
0x5b: {  	_ =	shalt  }
0x5c: {  	_ =	shalt  }
0x5d: {  	_ =	shalt  }
0x5e: {  	_ =	shalt  }
0x5f: {  	_ =	shalt  }
0x60: {  	_ =	shalt  }
0x61: {  	_ =	shalt  }
0x62: {  	_ =	shalt  }
0x63: {  	_ =	shalt  }
0x64: {  	_ =	shalt  }
0x65: {  	_ =	shalt  }
0x66: {  	_ =	shalt  }
0x67: {  	_ =	shalt  }
0x68: {  	_ =	shalt  }
0x69: {  	_ =	shalt  }
0x6a: {  	_ =	shalt  }
0x6b: {  	_ =	shalt  }
0x6c: {  	_ =	shalt  }
0x6d: {  	_ =	shalt  }
0x6e: {  	_ =	shalt  }
0x6f: {  	_ =	shalt  }
0x70: {  	_ =	shalt  }
0x71: {  	_ =	shalt  }
0x72: {  	_ =	shalt  }
0x73: {  	_ =	shalt  }
0x74: {  	_ =	shalt  }
0x75: {  	_ =	shalt  }
0x76: {  	_ =	shalt  }
0x77: {  	_ =	shalt  }
0x78: {  	_ =	shalt  }
0x79: {  	_ =	shalt  }
0x7a: {  	_ =	shalt  }
0x7b: {  	_ =	shalt  }
0x7c: {  	_ =	shalt  }
0x7d: {  	_ =	shalt  }
0x7e: {  	_ =	shalt  }
0x7f: {  	_ =	shalt  }
0x80: {  	_ =	shalt  }
0x81: {  	_ =	shalt  }
0x82: {  	_ =	shalt  }
0x83: {  	_ =	shalt  }
0x84: {  	_ =	shalt  }
0x85: {  	_ =	shalt  }
0x86: {  	_ =	shalt  }
0x87: {  	_ =	shalt  }
.Lfunc_end0:
.L_simem_size_0:
called_computation_lowered:
.L_overlay_start_0:
0x88: {  	s2 =	sld [smem:$0x3FD9]  }
0x89: {  	s3 =	sld [smem:$0x3FFE];
	_ =	sdelay $0x1  }
0x8a: {  	s1 =	srdreg.scid  }
0x8b: {  	s0 =	sand.u32 $0x1, s1  }
0x8c: {  	s17 =	sshll.u32 s0, $0xA;
	s2 =	sadd.s32 s3, s2  }
0x8d: {  	s2 =	sadd.s32 s2, s17  }
0x8e: {  	[smem:$0x3FC5] =	sst s2  }
0x8f: {  	_ = 	snop  }
0x90: {  	s2 =	sld [smem:$0x3FC9]  }
0x91: {  	s18 =	sld [smem:$0x3FC7];
	(tm) =	ssettm $0x1  }
0x92: {  	s4 =	sld [smem:$0x3FFB];
	_ =	sdelay $0x3  }
0x93: {  	_ =	strace s4  }
0x94: {  	s4 =	sld [smem:$0x3FFC];
	_ =	sdelay $0x3  }
0x95: {  	_ =	strace s4  }
0x96: {  	s4 =	sld [smem:$0x3FFD];
	_ =	sdelay $0x3  }
0x97: {  	_ =	strace s4  }
0x98: {  	_ =	strace $0x8FFFFFFF  }
0x99: {  	s19 =	sld [smem:$0x3FDB];
	_ =	sdelay $0x1  }
0x9a: {  	s5 =	simm.s32 $_scs_section_size  }
0x9b: {  	s6 =	simm.s32 $_size__tile_overlayer_lowered;
	s7 =	simm.s32 $_tile_overlayer_lowered  }
0x9c: {  	s22 =	simm.s32 $0x1BFF;
	s21 =	sshll.u32 s7, $0x1;
	s4 =	sadd.s32 s5, s19  }
0x9d: {  	s8 =	simm.s32 $0x0;
	s20 =	sshll.u32 s6, $0x1;
	s6 =	sadd.s32 s21, s4  }
0x9e: {  	[timem:s8], [sflag:s22] =	dma.local [hbm:s6], s20  }
0x9f: {  	_ =	swait.ge [sflag:s22], s20  }
0xa0: {  	s5 =	ssub.s32 $0x0, s20;
	[sflag:s22] =	ssyncset.done $0x0  }
0xa1: {  	[sflag:s22] =	ssyncadd.s32 s5;
	_ =	sdelay $0x1  }
0xa2: {  	s23 =	simm.s32 $0x1B8B  }
0xa3: {  	_ =	swait.ge [sflag:s23], $0x1  }
0xa4: {  	[sflag:s23] =	ssyncset.done $0x0  }
0xa5: {  	s25 =	simm.s32 $0x1B8E;
	s24 =	sld [smem:$0x3FFE];
	[sflag:s23] =	ssyncadd.s32 $0xFFFFFFFF  }
0xa6: {  	s26 =	simm.s32 $execute0_lowered;
	[smem:$0x3FD2] =	sst s25  }
0xa7: {  	s6 =	sshll.u32 s26, $0x1;
	_ =	strace $0x80000046;
	[dreg:$0x1] =	wrdreg $0xFFFFFFFF  }
0xa8: {  	s28 =	simm.s32 $_size_execute0_lowered;
	s4 =	sadd.s32 s4, s6;
	[dreg:$0x0] =	wrdreg $0x0  }
0xa9: {  	s6 =	sshll.u32 s28, $0x1;
	[dreg:$0x2] =	wrdreg s4  }
0xaa: {  	[dreg:$0x3] =	wrdreg s6  }
0xab: {  	[dreg:$0x4] =	wrdreg $0xC0  }
0xac: {  	_ =	task [dreg:s8], $0x5FFFF  }
0xad: {  	[dreg:$0x1] =	wrdreg $0xFFFFFFFF  }
0xae: {  	[dreg:$0x0] =	wrdreg $0x60  }
0xaf: {  	[dreg:$0x2] =	wrdreg s2  }
0xb0: {  	[dreg:$0x3] =	wrdreg s18  }
0xb1: {  	[dreg:$0x4] =	wrdreg s24  }
0xb2: {  	[dreg:$0x5] =	wrdreg $0x9  }
0xb3: {  	_ =	task.clear_ibuf [dreg:s8], $0x6FFFF;
	_ =	strace $0x90000046  }
0xb4: {  	s29 =	simm.s32 $0x9;
	_ =	strace $0x80000048  }
0xb5: {  	_ =	swait.ge [sflag:s29], $0x1  }
0xb6: {  	[sflag:s29] =	ssyncadd.s32 $0xFFFFFFFF  }
0xb7: {  	_ =	strace $0x90000048  }
0xb8: {  	_ =	sfence  }
0xb9: {  	s30 =	sld [smem:$0x0];
	_ =	sdelay $0x2  }
0xba: {  	s31 =	sshll.u32 s1, $0xD;
	s1 =	sshrl.u32 s1, $0x2  }
0xbb: {  	s3 =	sand.u32 $0x4000, s31;
	s1 =	sadd.s32 s1, s30  }
0xbc: {  	s0 =	sor.u32 s3, s0;
	s1 =	sshll.u32 s1, $0x11  }
0xbd: {  	s0 =	sor.u32 s1, s0  }
0xbe: {  	s0 =	sadd.s32 $0x8F2B, s0  }
0xbf: {  	[sflag:s0] =	ssyncadd.remote.s32 $0x1  }
0xc0: {  	_ =	sfence.sel $0xFFFF  }
0xc1: {  	[dreg:$0x0] =	wrdreg $0xFFFFFFFF;
	(pc) =	sbr.abs _section_cstart, $3  }
0xc2: {  	[dreg:$0x1] =	wrdreg $0xFFFFFFFF  }
0xc3: {  	_ =	task.clear_ibuf [dreg:s8], $0x2FFFF;
	_ =	strace $0x9FFFFFFF  }
0xc4: {  	(tm) =	ssettm $0x7FFFFFFF  }
0xc5: {  	_ =	shalt  }
tec
execute0_lowered:
.L_overlay_start_1:
0x0: {  	(tag) =	ssettag $0x1  }
0x1: {  	s3 =	rddreg [dreg:$0x0]  }
0x2: {  	s4 =	rddreg [dreg:$0x1];
	s1 =	srdreg.scid  }
0x3: {  	s0 =	stileid.u32;
	s5 =	rddreg [dreg:$0x2];
	s2 =	simm.s32 $0x0  }
0x4: {  	s11 =	simm.s32 $0x3;
	s12 =	simm.s32 $0x7680;
	s13 =	simm.s32 $0x0  }
0x5: {  	s6 =	sand.u32 $0x1, s1;
	s7 =	sshll.u32 s0, $0x1;
	s1 =	rddreg [dreg:$0x3]  }
0x6: {  	[smem:$0x7FF] =	sst s2;
	s7 =	sor.u32 s6, s7;
	s6 =	ssub.s32 $0x2, s6  }
0x7: {  	s8 =	smul.u32 $0x4E2, s7;
	s7 =	sshll.u32 s7, $0x1;
	s31 =	sshrl.u32 s6, $0x1  }
0x8: {  	_ =	strace $0x80000047;
	s7 =	sadd.s32 s7, s5;
	s10 =	ssub.s32 s6, s31  }
0x9: {  	s9 =	sadd.s32 s8, s5;
	s3 =	sadd.s32 s3, s8;
	s4 =	sadd.s32 s4, s8  }
0xa: {  	s6 =	sadd.s32 $0xA800, s7;
	s7 =	smax.u32 s10, $0x1;
	s8 =	simm.s32 $0x1  }
0xb: {  	s10 =	simm.s32 $0x4F00;
	s5 =	sadd.s32 $0xA00, s9;
	s9 =	simm.s32 $0x2  }
.LBB2_1:
0xc: {  	[tilespmem:s2], [sflag:$0x1] =	stream.linear.gather [hbm4b:s3+s2], $0x2710, $0x38;
	[tilespmem:$0x7700] =	vst v63  }
0xd: {  	s14 =	simm.s32 $0x2780  }
0xe: {  	[tilespmem:s14], [sflag:$0x2] =	stream.linear.gather [hbm4b:s4+s2], $0x2710, $0x38;
	[tilespmem:$0x7700] =	vst v63  }
0xf: {  	_ =	swait.ge [sflag:s8], $0x2710  }
0x10: {  	[sflag:s8] =	ssyncset.done $0x0  }
0x11: {  	[sflag:s8] =	ssyncadd.s32 $0xFFFFD8F0  }
0x12: {  	_ =	swait.ge [sflag:s9], $0x2710  }
0x13: {  	[sflag:s9] =	ssyncset.done $0x0  }
0x14: {  	[sflag:s9] =	ssyncadd.s32 $0xFFFFD8F0  }
0x15: {  	v2 =	vld [tilespmem:s2+$0x0];
	_ =	sdelay $0x4  }
0x16: {  	v0 =	vand.u32 $0x7FFFFFFF, v2  }
0x17: {  	v0 =	vsub.f32 $0.0e+00, v0;
	_ =	sdelay $0x1  }
0x18: {  	v0 =	vmul.f32 $1.442695020e+00, v0;
	_ =	sdelay $0x1  }
0x19: {  	(erf) = vpow2.f32 v0;
	_ =	sdelay $0x8  }
0x1a: {  	v0 =	vpop (erf)  }
0x1b: {  	v1 =	vadd.f32 $1.000000000e+00, v0  }
0x1c: {  	v3 =	vadd.f32 $2.000000000e+00, v0  }
0x1d: {  	(erf) = vrcp.f32 v1  }
0x1e: {  	(erf) = vrcp.f32 v3;
	_ =	sdelay $0x7  }
0x1f: {  	v1 =	vpop (erf)  }
0x20: {  	v3 =	vmul.f32 v1, v0;
	v4 =	vpop (erf)  }
0x21: {  	vm0 =	vge.f32 v2, $0.0e+00;
	v4 =	vmul.f32 v4, v0  }
0x22: {  	v0 =	vsel vm0, v1, v3  }
0x23: {  	s15 =	simm.s32 $0x10;
	v5 =	vld [tilespmem:s14+$0x0];
	[tilespmem:s10+$0x0] =	vst v0;
	v1 =	vmul.f32 v4, v4  }
0x24: {  	v0 =	vld [tilespmem:s15+$0x0]  }
0x25: {  	v3 =	vmul.f32 $1.428571490e-01, v1;
	_ =	sdelay $0x1  }
0x26: {  	v3 =	vadd.f32 $2.000000030e-01, v3;
	_ =	sdelay $0x1  }
0x27: {  	v6 =	vand.u32 $0x7FFFFFFF, v0;
	v3 =	vmul.f32 v3, v1  }
0x28: {  	v6 =	vsub.f32 $0.0e+00, v6  }
0x29: {  	v3 =	vadd.f32 $3.333333430e-01, v3  }
0x2a: {  	v6 =	vmul.f32 $1.442695020e+00, v6  }
0x2b: {  	v1 =	vmul.f32 v3, v1  }
0x2c: {  	(erf) = vpow2.f32 v6  }
0x2d: {  	v3 =	vadd.f32 v4, v4;
	v1 =	vadd.f32 $1.000000000e+00, v1  }
0x2e: {  	v6 =	vadd.f32 v5, v5  }
0x2f: {  	v4 =	vxor.u32 $0x80000000, v2;
	v1 =	vmul.f32 v1, v3  }
0x30: {  	v3 =	vmax.f32 v4, $0.0e+00;
	v4 =	vadd.f32 $1.000000000e+00, v6  }
0x31: {  	v1 =	vadd.f32 v1, v3;
	v3 =	vsub.f32 $1.000000000e+00, v5;
	_ =	sdelay $0x1  }
0x32: {  	v4 =	vmul.f32 v1, v4  }
0x33: {  	v5 =	vimm.f32 $0.0e+00  }
0x34: {  	s17 =	simm.s32 $0x10;
	s16 =	simm.s32 $0x4F00;
	v1 =	vxor.u32 $0x80000000, v0;
	v2 =	vmul.f32 v3, v2;
	v3 =	vpop (erf);
	v4 =	vadd.f32 v4, v5  }
.LBB2_2:
0x35: {  	s17 =	sadd.s32 $0x10, s17;
	v5 =	vadd.f32 $1.000000000e+00, v3;
	v6 =	vadd.f32 $2.000000000e+00, v3;
	s16 =	sadd.s32 $0x10, s16;
	s14 =	sadd.s32 $0x10, s14  }
0x36: {  	p0 =	slt.u32 s17, $0x2700;
	v4 =	vadd.f32 v4, v2  }
0x37: {  	(erf) = vrcp.f32 v5  }
0x38: {  	(erf) = vrcp.f32 v6;
	_ =	sdelay $0x7  }
0x39: {  	v2 =	vpop (erf)  }
0x3a: {  	v5 =	vmul.f32 v2, v3;
	v6 =	vpop (erf)  }
0x3b: {  	vm0 =	vge.f32 v0, $0.0e+00;
	v3 =	vmul.f32 v6, v3  }
0x3c: {  	v6 =	vld [tilespmem:s14+$0x0];
	v2 =	vsel vm0, v2, v5  }
0x3d: {  	s15 =	sadd.s32 $0x10, s15;
	[tilespmem:s16+$0x0] =	vst v2;
	v5 =	vmul.f32 v3, v3  }
0x3e: {  	v7 =	vld [tilespmem:s15+$0x0]  }
0x3f: {  	v2 =	vmul.f32 $1.428571490e-01, v5;
	_ =	sdelay $0x1  }
0x40: {  	v2 =	vadd.f32 $2.000000030e-01, v2;
	v8 =	vadd.f32 v6, v6  }
0x41: {  	v6 =	vsub.f32 $1.000000000e+00, v6  }
0x42: {  	v9 =	vand.u32 $0x7FFFFFFF, v7;
	v10 =	vxor.u32 $0x80000000, v7;
	v11 =	vmul.f32 v2, v5  }
0x43: {  	v2 =	vmul.f32 v6, v0;
	v0 =	vmov v7;
	v9 =	vsub.f32 $0.0e+00, v9  }
0x44: {  	v6 =	vadd.f32 $3.333333430e-01, v11  }
0x45: {  	v7 =	vmul.f32 $1.442695020e+00, v9  }
0x46: {  	v5 =	vmul.f32 v6, v5  }
0x47: {  	v3 =	vadd.f32 v3, v3;
	(erf) = vpow2.f32 v7  }
0x48: {  	v5 =	vadd.f32 $1.000000000e+00, v5;
	_ =	sdelay $0x1  }
0x49: {  	v6 =	vmax.f32 v1, $0.0e+00;
	v1 =	vmov v10;
	v3 =	vmul.f32 v5, v3  }
0x4a: {  	v5 =	vadd.f32 $1.000000000e+00, v8  }
.Ltmp0:
0x4b: {  	v3 =	vadd.f32 v3, v6;
	(pc) =	sbr.rel @p0 .LBB2_2-.Ltmp0, $3  }
0x4c: {  	_ = 	snop  }
0x4d: {  	v5 =	vmul.f32 v3, v5;
	_ =	sdelay $0x1  }
0x4e: {  	v3 =	vpop (erf);
	v4 =	vadd.f32 v5, v4  }
0x4f: {  	v5 =	vadd.f32 $1.000000000e+00, v3  }
0x50: {  	v6 =	vadd.f32 $2.000000000e+00, v3  }
0x51: {  	(erf) = vrcp.f32 v5  }
0x52: {  	(erf) = vrcp.f32 v6;
	_ =	sdelay $0x7  }
0x53: {  	v5 =	vpop (erf)  }
0x54: {  	v6 =	vpop (erf)  }
0x55: {  	v6 =	vmul.f32 v6, v3;
	_ =	sdelay $0x1  }
0x56: {  	v7 =	vmul.f32 v6, v6;
	_ =	sdelay $0x1  }
0x57: {  	v8 =	vmul.f32 $1.428571490e-01, v7;
	_ =	sdelay $0x1  }
0x58: {  	v8 =	vadd.f32 $2.000000030e-01, v8;
	_ =	sdelay $0x1  }
0x59: {  	v8 =	vmul.f32 v8, v7;
	_ =	sdelay $0x1  }
0x5a: {  	s14 =	sadd.s32 $0x10, s14;
	v8 =	vadd.f32 $3.333333430e-01, v8  }
0x5b: {  	v9 =	vld [tilespmem:s14+$0x0]  }
0x5c: {  	v7 =	vmul.f32 v8, v7;
	_ =	sdelay $0x1  }
0x5d: {  	v6 =	vadd.f32 v6, v6;
	v7 =	vadd.f32 $1.000000000e+00, v7;
	_ =	sdelay $0x1  }
0x5e: {  	v59 =	vadd.f32 v9, v9;
	v6 =	vmul.f32 v7, v6  }
0x5f: {  	v1 =	vmax.f32 v1, $0.0e+00  }
0x60: {  	v61 =	vadd.f32 $1.000000000e+00, v59;
	v60 =	vmul.f32 v5, v3;
	v1 =	vadd.f32 v6, v1  }
0x61: {  	vm0 =	vge.f32 v0, $0.0e+00;
	v2 =	vadd.f32 v4, v2  }
0x62: {  	s31 =	sadd.s32 $0x10, s16;
	v62 =	vsub.f32 $1.000000000e+00, v9;
	v3 =	vsel vm0, v5, v60;
	v1 =	vmul.f32 v1, v61  }
0x63: {  	[tilespmem:s31+$0x0] =	vst v3  }
0x64: {  	v63 =	vmul.f32 v62, v0;
	[hbm4b:s5+s2] =	stream.linear.scatter [tilespmem:s10], [sflag:$0x3], $0x2710, $0x38;
	v1 =	vadd.f32 v1, v2;
	[tilespmem:$0x7700] =	vst v63  }
0x65: {  	_ =	swait.ge [sflag:s11], $0x2710  }
0x66: {  	s13 =	sadd.s32 $0x1, s13;
	[sflag:s11] =	ssyncset.done $0x0;
	v0 =	vadd.f32 v1, v63  }
0x67: {  	p0 =	sne.s32 s13, s7;
	[sflag:s11] =	ssyncadd.s32 $0xFFFFD8F0  }
.Ltmp1:
0x68: {  	[tilespmem:$0x7680] =	vst v0;
	(pc) =	sbr.rel @p0 .LBB2_1-.Ltmp1, $4  }
0x69: {  	[hbm4b:s6+s2] =	stream.linear.scatter [tilespmem:s12], [sflag:$0x3], $0x10, $0x38;
	[tilespmem:$0x7700] =	vst v63  }
0x6a: {  	_ =	swait.ge [sflag:s11], $0x10  }
0x6b: {  	[sflag:s11] =	ssyncset.done $0x0  }
0x6c: {  	[sflag:s11] =	ssyncadd.s32 $0xFFFFFFF0  }
0x6d: {  	_ =	sfence.sel $0x180000  }
0x6e: {  	[bflag:$0x0] =	sbarrier.arrive $0xFFFF  }
0x6f: {  	p0 =	sne.s32 s0, $0x0;
	_ =	strace $0x90000047  }
0x70: {  	s0 =	sadd.s32 @!p0 $0x100000, s1;
	[bflag:$0x2] =	sbarrier.arrive $0xFFFF  }
0x71: {  	[sflag:s0] =	ssyncadd.tile.s32 @!p0 $0x1;
	_ =	shalt  }
.Lfunc_end2:
_tile_overlayer_lowered:
.L_overlay_start_2:
0x72: {  	(tag) =	ssettag $0x2  }
0x73: {  	s0 =	rddreg [dreg:$0x0];
	s2 =	stileid.u32  }
0x74: {  	s1 =	rddreg [dreg:$0x1];
	p0 =	sne.s32 s2, $0x0  }
0x75: {  	s3 =	rddreg [dreg:$0x2];
	[bflag:$0x3] =	sbarrier.arrive $0xFFFF;
	s2 =	simm.s32 @!p0 $0x1C03  }
0x76: {  	[timem:s3], [sflag:s2] =	dma.local @!p0 [hbm:s0], s1  }
0x77: {  	s0 =	simm.s32 @!p0 $0x3  }
0x78: {  	_ =	swait.ge @!p0 [sflag:s0], s1  }
0x79: {  	s1 =	ssub.s32 @!p0 $0x0, s1;
	[sflag:s0] =	ssyncset.done @!p0 $0x0  }
0x7a: {  	[sflag:s0] =	ssyncadd.s32 @!p0 s1  }
0x7b: {  	[bflag:$0x3] =	sbarrier.arrive $0xFFFF  }
0x7c: {  	_ =	shalt  }

</sc_bundles>
